<compile_context>
chip_gen: v7x
topology: tpu7x:2x2x1
jax: 0.10.2.dev20260603
libtpu: 0.0.44.dev20260713+nightly
codegen_flags: <defaults>
</compile_context>

<pallas_src>
import jax
import jax.numpy as jnp
from jax.experimental import pallas as pl
from jax.experimental.pallas import tpu as pltpu

B, S, D, H = 2, 2048, 2048, 16
HD = D // H
R = int(S * 0.9)

BM = 1024
KB = 1024


def _attn_body(q_ref, k_ref, v_ref, o_ref, imp_ref, acc_ref):
    j = pl.program_id(1)

    q = q_ref[0, 0]
    k = k_ref[0, 0]
    v = v_ref[0]
    s = jnp.dot(q, k.T, preferred_element_type=jnp.float32) / jnp.sqrt(
        jnp.float32(HD))
    m = jnp.max(s, axis=0, keepdims=True)
    e = jnp.exp(s - m)
    z = jnp.sum(e, axis=0, keepdims=True)
    zr = 1.0 / z
    imp_ref[0, 0] = jnp.sum(e * zr, axis=0, keepdims=True) / jnp.float32(S)
    vs = v.astype(jnp.float32) * zr.reshape(KB, 1)
    pv = jnp.dot(e.astype(jnp.bfloat16), vs.astype(jnp.bfloat16),
                 preferred_element_type=jnp.float32)
    @pl.when(j == 0)
    def _first():
        acc_ref[...] = pv

    @pl.when(j > 0)
    def _rest():
        acc_ref[...] += pv

    @pl.when(j == pl.num_programs(1) - 1)
    def _done():
        o_ref[0] = acc_ref[...].astype(jnp.bfloat16)


def _attention(qp, kp, vb):
    grid = (B * H, S // KB)
    return pl.pallas_call(
        _attn_body,
        grid=grid,
        in_specs=[
            pl.BlockSpec((1, 1, S, HD), lambda bh, j: (bh // H, bh % H, 0, 0)),
            pl.BlockSpec((1, 1, KB, HD), lambda bh, j: (bh // H, bh % H, j, 0)),
            pl.BlockSpec((1, KB, HD), lambda bh, j: (bh // H, j, bh % H)),
        ],
        out_specs=[
            pl.BlockSpec((1, S, HD), lambda bh, j: (bh // H, 0, bh % H)),
            pl.BlockSpec((1, 1, 1, KB), lambda bh, j: (bh // H, bh % H, 0, j)),
        ],
        out_shape=[
            jax.ShapeDtypeStruct((B, S, D), jnp.bfloat16),
            jax.ShapeDtypeStruct((B, H, 1, S), jnp.float32),
        ],
        scratch_shapes=[pltpu.VMEM((S, HD), jnp.float32)],
        compiler_params=pltpu.CompilerParams(
            dimension_semantics=("parallel", "arbitrary"),
        ),
    )(qp, kp, vb)


def _mm_body(x_ref, w_ref, b_ref, o_ref):
    acc = jnp.dot(x_ref[...], w_ref[...], preferred_element_type=jnp.float32)
    o_ref[0] = (acc + b_ref[0]).astype(o_ref.dtype)


BN = 512


def _mm(x2d, wT, b3d, out_dtype):
    grid = (B * S // BM, D // BN)
    return pl.pallas_call(
        _mm_body,
        grid=grid,
        in_specs=[
            pl.BlockSpec((BM, D), lambda i, j: (i, 0)),
            pl.BlockSpec((D, BN), lambda i, j: (0, j)),
            pl.BlockSpec((1, 1, BN), lambda i, j: (j, 0, 0)),
        ],
        out_specs=pl.BlockSpec(
            (1, BM, BN), lambda i, j: (i // (S // BM), i % (S // BM), j)
        ),
        out_shape=jax.ShapeDtypeStruct((B, S, D), out_dtype),
        compiler_params=pltpu.CompilerParams(
            dimension_semantics=("parallel", "parallel"),
        ),
    )(x2d, wT, b3d)


def kernel(x, Wq, bq, Wk, bk, Wv, bv, Wo, bo):
    Q = x @ Wq.T + bq
    K = x @ Wk.T + bk
    qp = Q.reshape(B, S, H, HD).transpose(0, 2, 1, 3)
    kp = K.reshape(B, S, H, HD).transpose(0, 2, 1, 3)

    vb = (x @ Wv.T + bv).astype(jnp.bfloat16)
    attn_out, importance4 = _attention(qp, kp, vb)
    topk_indices = jax.lax.top_k(importance4[:, :, 0, :], R)[1]
    y2d = attn_out.reshape(B * S, D)
    out_p = _mm(y2d, Wo.T.astype(jnp.bfloat16), bo.reshape(D // BN, 1, BN),
                jnp.float32)
    return (out_p, topk_indices)

# --- scband reference (transcript-rebuilt; emitter-appended) ---
"""Pipeline reference for scband-core-token-attention-test-6975026889300 (READ-ONLY COPY).

The authoritative reference and input builder live on the scoring server;
editing this copy changes nothing except your own understanding.
"""

import jax, jax.numpy as jnp
import numpy as np

B, S, D, H = 2, 2048, 2048, 16
HD = D // H


def setup_inputs(seed: int = 0) -> dict:
    key = jax.random.key(seed)
    ks = jax.random.split(key, 9)
    s = 0.02
    return {
        "x": jax.random.normal(ks[0], (B, S, D), dtype=jnp.float32),
        "Wq": jax.random.normal(ks[1], (D, D), dtype=jnp.float32) * s,
        "bq": jax.random.normal(ks[2], (D,), dtype=jnp.float32) * s,
        "Wk": jax.random.normal(ks[3], (D, D), dtype=jnp.float32) * s,
        "bk": jax.random.normal(ks[4], (D,), dtype=jnp.float32) * s,
        "Wv": jax.random.normal(ks[5], (D, D), dtype=jnp.float32) * s,
        "bv": jax.random.normal(ks[6], (D,), dtype=jnp.float32) * s,
        "Wo": jax.random.normal(ks[7], (D, D), dtype=jnp.float32) * s,
        "bo": jax.random.normal(ks[8], (D,), dtype=jnp.float32) * s,
    }


def reference(x, Wq, bq, Wk, bk, Wv, bv, Wo, bo):
    # Linear projections (torch nn.Linear: y = x @ W.T + b)
    Q = x @ Wq.T + bq
    K = x @ Wk.T + bk
    V = x @ Wv.T + bv
    # pruning=True path, mask=None, topk_indices=None
    Qp = Q.reshape(B, S, H, HD).transpose(0, 2, 1, 3)
    Kp = K.reshape(B, S, H, HD).transpose(0, 2, 1, 3)
    Vp = V.reshape(B, S, H, HD).transpose(0, 2, 1, 3)
    scale = jnp.sqrt(jnp.float32(HD))
    attn_score_p = jnp.matmul(Qp, Kp.transpose(0, 1, 3, 2)) / scale
    # NOTE: original code softmaxes over dim=-2 (the query axis)
    attn_dstn_p = jax.nn.softmax(attn_score_p, axis=-2)
    importance_score = jnp.mean(attn_dstn_p, axis=2)  # [B, H, S]
    n = Kp.shape[2]
    r = round(0.5 ** (1.0 / 6.0), 1)  # = 0.9
    r = int(n * r)
    topk_indices = jax.lax.top_k(importance_score, r)[1]
    # dropout with drop_prob=0.0 is identity
    out_p = jnp.matmul(attn_dstn_p, Vp)
    out_p = out_p.transpose(0, 2, 1, 3).reshape(B, S, D)
    out_p = out_p @ Wo.T + bo
    return (out_p, topk_indices)

if __name__ == "__main__":
    import jax
    _d = setup_inputs()
    print(jax.jit(kernel)(*tuple(_d.values())))

</pallas_src>

<mosaic_0001>
module attributes {stable_mosaic.version = 14 : i64} {
  func.func @_attn_body(%arg0: i32, %arg1: i32, %arg2: memref<1x1x2048x128xf32, #tpu.memory_space<vmem>>, %arg3: memref<1x1x1024x128xf32, #tpu.memory_space<vmem>>, %arg4: memref<1x1024x128xbf16, #tpu.memory_space<vmem>>, %arg5: memref<1x2048x128xbf16, #tpu.memory_space<vmem>>, %arg6: memref<1x1x1x1024xf32, #tpu.memory_space<vmem>>, %arg7: memref<2048x128xf32, #tpu.memory_space<vmem>>) attributes {dimension_semantics = [#tpu.dimension_semantics<parallel>, #tpu.dimension_semantics<arbitrary>], iteration_bounds = array<i64: 32, 2>, scalar_prefetch = 0 : i64, scratch_operands = 1 : i64, tpu.core_type = #tpu.core_type<tc>, window_params = [{transform_indices = @transform_0, window_bounds = array<i64: 1, 1, 2048, 128>}, {transform_indices = @transform_1, window_bounds = array<i64: 1, 1, 1024, 128>}, {transform_indices = @transform_2, window_bounds = array<i64: 1, 1024, 128>}, {transform_indices = @transform_3, window_bounds = array<i64: 1, 2048, 128>}, {transform_indices = @transform_4, window_bounds = array<i64: 1, 1, 1, 1024>}]} {
    %get3A = arith.constant 0 : index
    %get3A_0 = arith.constant 0 : index
    %get3A_1 = arith.constant 0 : index
    %get3A_2 = arith.constant 0 : index
    %get3A_3 = vector.load %arg2[%get3A, %get3A_0, %get3A_1, %get3A_2] : memref<1x1x2048x128xf32, #tpu.memory_space<vmem>>, vector<1x1x2048x128xf32>
    %get3A_4 = vector.shape_cast %get3A_3 : vector<1x1x2048x128xf32> to vector<2048x128xf32>
    %get3A_5 = arith.constant 0 : index
    %get3A_6 = arith.constant 0 : index
    %get3A_7 = arith.constant 0 : index
    %get3A_8 = arith.constant 0 : index
    %get3A_9 = vector.load %arg3[%get3A_5, %get3A_6, %get3A_7, %get3A_8] : memref<1x1x1024x128xf32, #tpu.memory_space<vmem>>, vector<1x1x1024x128xf32>
    %get3A_10 = vector.shape_cast %get3A_9 : vector<1x1x1024x128xf32> to vector<1024x128xf32>
    %get3A_11 = arith.constant 0 : index
    %get3A_12 = arith.constant 0 : index
    %get3A_13 = arith.constant 0 : index
    %get3A_14 = vector.load %arg4[%get3A_11, %get3A_12, %get3A_13] : memref<1x1024x128xbf16, #tpu.memory_space<vmem>>, vector<1x1024x128xbf16>
    %get3A_15 = vector.shape_cast %get3A_14 : vector<1x1024x128xbf16> to vector<1024x128xbf16>
    %transpose3A = tpu.transpose %get3A_10, [1, 0] : vector<1024x128xf32> -> vector<128x1024xf32>
    %dot_general3A = arith.constant dense<0.000000e+00> : vector<2048x1024xf32>
    %dot_general3A_16 = tpu.matmul %get3A_4, %transpose3A, %dot_general3A {dimension_numbers = #tpu.dot_dimension_numbers<[1], [0], [0], [1], [0, 0, 1, 1], [], []>, transpose_lhs_hint = false} : vector<2048x128xf32>, vector<128x1024xf32>, vector<2048x1024xf32> -> vector<2048x1024xf32>
    %sqrt3A = arith.constant 1.280000e+02 : f32
    %sqrt3A_17 = math.sqrt %sqrt3A : f32
    %div3A = vector.broadcast %sqrt3A_17 : f32 to vector<2048x1024xf32>
    %div3A_18 = arith.divf %dot_general3A_16, %div3A : vector<2048x1024xf32>
    %reduce_max3A = arith.constant dense<0xFF800000> : vector<1024xf32>
    %reduce_max3A_19 = vector.multi_reduction <maximumf>, %div3A_18, %reduce_max3A [0] : vector<2048x1024xf32> to vector<1024xf32>
    %broadcast_in_dim3A = vector.shape_cast %reduce_max3A_19 : vector<1024xf32> to vector<1x1024xf32>
    %sub3A = vector.broadcast %broadcast_in_dim3A : vector<1x1024xf32> to vector<2048x1024xf32>
    %sub3A_20 = arith.subf %div3A_18, %sub3A : vector<2048x1024xf32>
    %exp3A = math.exp %sub3A_20 : vector<2048x1024xf32>
    %reduce_sum3A = arith.constant dense<0.000000e+00> : vector<1024xf32>
    %reduce_sum3A_21 = vector.multi_reduction <add>, %exp3A, %reduce_sum3A [0] : vector<2048x1024xf32> to vector<1024xf32>
    %broadcast_in_dim3A_22 = vector.shape_cast %reduce_sum3A_21 : vector<1024xf32> to vector<1x1024xf32>
    %div3A_23 = arith.constant 1.000000e+00 : f32
    %div3A_24 = vector.broadcast %div3A_23 : f32 to vector<1x1024xf32>
    %div3A_25 = arith.divf %div3A_24, %broadcast_in_dim3A_22 : vector<1x1024xf32>
    %mul3A = vector.broadcast %div3A_25 : vector<1x1024xf32> to vector<2048x1024xf32>
    %mul3A_26 = arith.mulf %exp3A, %mul3A : vector<2048x1024xf32>
    %reduce_sum3A_27 = arith.constant dense<0.000000e+00> : vector<1024xf32>
    %reduce_sum3A_28 = vector.multi_reduction <add>, %mul3A_26, %reduce_sum3A_27 [0] : vector<2048x1024xf32> to vector<1024xf32>
    %broadcast_in_dim3A_29 = vector.shape_cast %reduce_sum3A_28 : vector<1024xf32> to vector<1x1024xf32>
    %div3A_30 = arith.constant 2.048000e+03 : f32
    %div3A_31 = vector.broadcast %div3A_30 : f32 to vector<1x1024xf32>
    %div3A_32 = arith.divf %broadcast_in_dim3A_29, %div3A_31 : vector<1x1024xf32>
    %swap3A = arith.constant 0 : index
    %swap3A_33 = arith.constant 0 : index
    %swap3A_34 = arith.constant 0 : index
    %swap3A_35 = arith.constant 0 : index
    %swap3A_36 = vector.load %arg6[%swap3A, %swap3A_33, %swap3A_34, %swap3A_35] : memref<1x1x1x1024xf32, #tpu.memory_space<vmem>>, vector<1x1x1x1024xf32>
    %swap3A_37 = vector.shape_cast %swap3A_36 : vector<1x1x1x1024xf32> to vector<1x1024xf32>
    %swap3A_38 = vector.shape_cast %div3A_32 : vector<1x1024xf32> to vector<1x1x1x1024xf32>
    tpu.vector_store %arg6[%swap3A, %swap3A_33, %swap3A_34, %swap3A_35], %swap3A_38 {strides = array<i32>} : memref<1x1x1x1024xf32, #tpu.memory_space<vmem>>, vector<1x1x1x1024xf32>,
    %convert_element_type3A = arith.extf %get3A_15 : vector<1024x128xbf16> to vector<1024x128xf32>
    %reshape3A = vector.shape_cast %div3A_25 : vector<1x1024xf32> to vector<1024x1xf32>
    %mul3A_39 = vector.broadcast %reshape3A : vector<1024x1xf32> to vector<1024x128xf32>
    %mul3A_40 = arith.mulf %convert_element_type3A, %mul3A_39 : vector<1024x128xf32>
    %convert_element_type3A_41 = arith.truncf %exp3A : vector<2048x1024xf32> to vector<2048x1024xbf16>
    %convert_element_type3A_42 = arith.truncf %mul3A_40 : vector<1024x128xf32> to vector<1024x128xbf16>
    %dot_general3A_43 = arith.constant dense<0.000000e+00> : vector<2048x128xf32>
    %dot_general3A_44 = tpu.matmul %convert_element_type3A_41, %convert_element_type3A_42, %dot_general3A_43 {dimension_numbers = #tpu.dot_dimension_numbers<[1], [0], [0], [1], [0, 0, 1, 1], [], []>, transpose_lhs_hint = false} : vector<2048x1024xbf16>, vector<1024x128xbf16>, vector<2048x128xf32> -> vector<2048x128xf32>
    %eq3A = arith.constant 0 : i32
    %eq3A_45 = arith.cmpi eq, %arg1, %eq3A : i32
    %convert_element_type3A_46 = arith.extui %eq3A_45 : i1 to i32
    %cond3A = arith.constant 0 : i32
    %cond3A_47 = arith.cmpi ne, %convert_element_type3A_46, %cond3A : i32
    scf.if %cond3A_47 {
      %swap3A_57 = arith.constant 0 : index
      %swap3A_58 = arith.constant 0 : index
      %swap3A_59 = vector.load %arg7[%swap3A_57, %swap3A_58] : memref<2048x128xf32, #tpu.memory_space<vmem>>, vector<2048x128xf32>
      tpu.vector_store %arg7[%swap3A_57, %swap3A_58], %dot_general3A_44 {strides = array<i32>} : memref<2048x128xf32, #tpu.memory_space<vmem>>, vector<2048x128xf32>,
    } else {
    }
    %gt3A = arith.constant 0 : i32
    %gt3A_48 = arith.cmpi sgt, %arg1, %gt3A : i32
    %convert_element_type3A_49 = arith.extui %gt3A_48 : i1 to i32
    %cond3A_50 = arith.constant 0 : i32
    %cond3A_51 = arith.cmpi ne, %convert_element_type3A_49, %cond3A_50 : i32
    scf.if %cond3A_51 {
      %get3A_57 = arith.constant 0 : index
      %get3A_58 = arith.constant 0 : index
      %get3A_59 = vector.load %arg7[%get3A_57, %get3A_58] : memref<2048x128xf32, #tpu.memory_space<vmem>>, vector<2048x128xf32>
      %add3A = arith.addf %get3A_59, %dot_general3A_44 : vector<2048x128xf32>
      %swap3A_60 = arith.constant 0 : index
      %swap3A_61 = arith.constant 0 : index
      %swap3A_62 = vector.load %arg7[%swap3A_60, %swap3A_61] : memref<2048x128xf32, #tpu.memory_space<vmem>>, vector<2048x128xf32>
      tpu.vector_store %arg7[%swap3A_60, %swap3A_61], %add3A {strides = array<i32>} : memref<2048x128xf32, #tpu.memory_space<vmem>>, vector<2048x128xf32>,
    } else {
    }
    %eq3A_52 = arith.constant 1 : i32
    %eq3A_53 = arith.cmpi eq, %arg1, %eq3A_52 : i32
    %convert_element_type3A_54 = arith.extui %eq3A_53 : i1 to i32
    %cond3A_55 = arith.constant 0 : i32
    %cond3A_56 = arith.cmpi ne, %convert_element_type3A_54, %cond3A_55 : i32
    scf.if %cond3A_56 {
      %get3A_57 = arith.constant 0 : index
      %get3A_58 = arith.constant 0 : index
      %get3A_59 = vector.load %arg7[%get3A_57, %get3A_58] : memref<2048x128xf32, #tpu.memory_space<vmem>>, vector<2048x128xf32>
      %convert_element_type3A_60 = arith.truncf %get3A_59 : vector<2048x128xf32> to vector<2048x128xbf16>
      %swap3A_61 = arith.constant 0 : index
      %swap3A_62 = arith.constant 0 : index
      %swap3A_63 = arith.constant 0 : index
      %swap3A_64 = vector.load %arg5[%swap3A_61, %swap3A_62, %swap3A_63] : memref<1x2048x128xbf16, #tpu.memory_space<vmem>>, vector<1x2048x128xbf16>
      %swap3A_65 = vector.shape_cast %swap3A_64 : vector<1x2048x128xbf16> to vector<2048x128xbf16>
      %swap3A_66 = vector.shape_cast %convert_element_type3A_60 : vector<2048x128xbf16> to vector<1x2048x128xbf16>
      tpu.vector_store %arg5[%swap3A_61, %swap3A_62, %swap3A_63], %swap3A_66 {strides = array<i32>} : memref<1x2048x128xbf16, #tpu.memory_space<vmem>>, vector<1x2048x128xbf16>,
    } else {
    }
    return
  }
  func.func @transform_0(%arg0: i32, %arg1: i32) -> (i32, i32, i32, i32) {
    %jit3A = arith.constant 16 : i32
    %div3A = arith.divsi %arg0, %jit3A : i32
    %sign3A = arith.constant 0 : i32
    %sign3A_0 = arith.cmpi sgt, %arg0, %sign3A : i32
    %sign3A_1 = arith.extui %sign3A_0 : i1 to i32
    %sign3A_2 = arith.constant 0 : i32
    %sign3A_3 = arith.cmpi slt, %arg0, %sign3A_2 : i32
    %sign3A_4 = arith.extui %sign3A_3 : i1 to i32
    %sign3A_5 = arith.subi %sign3A_1, %sign3A_4 : i32
    %sign3A_6 = arith.constant 0 : i32
    %sign3A_7 = arith.cmpi sgt, %jit3A, %sign3A_6 : i32
    %sign3A_8 = arith.extui %sign3A_7 : i1 to i32
    %sign3A_9 = arith.constant 0 : i32
    %sign3A_10 = arith.cmpi slt, %jit3A, %sign3A_9 : i32
    %sign3A_11 = arith.extui %sign3A_10 : i1 to i32
    %sign3A_12 = arith.subi %sign3A_8, %sign3A_11 : i32
    %ne3A = arith.cmpi ne, %sign3A_5, %sign3A_12 : i32
    %rem3A = arith.remsi %arg0, %jit3A : i32
    %ne3A_13 = arith.constant 0 : i32
    %ne3A_14 = arith.cmpi ne, %rem3A, %ne3A_13 : i32
    %and3A = arith.andi %ne3A, %ne3A_14 : i1
    %sub3A = arith.constant 1 : i32
    %sub3A_15 = arith.subi %div3A, %sub3A : i32
    %select_n3A = arith.select %and3A, %sub3A_15, %div3A : i32
    %jit3A_16 = arith.constant 16 : i32
    %eq3A = arith.constant 0 : i32
    %eq3A_17 = arith.cmpi eq, %jit3A_16, %eq3A : i32
    %jit3A_18 = arith.constant 1 : i32
    %select_n3A_19 = arith.select %eq3A_17, %jit3A_18, %jit3A_16 : i32
    %rem3A_20 = arith.remsi %arg0, %select_n3A_19 : i32
    %ne3A_21 = arith.constant 0 : i32
    %ne3A_22 = arith.cmpi ne, %rem3A_20, %ne3A_21 : i32
    %lt3A = arith.constant 0 : i32
    %lt3A_23 = arith.cmpi slt, %rem3A_20, %lt3A : i32
    %lt3A_24 = arith.constant 0 : i32
    %lt3A_25 = arith.cmpi slt, %select_n3A_19, %lt3A_24 : i32
    %ne3A_26 = arith.xori %lt3A_23, %lt3A_25 : i1
    %and3A_27 = arith.andi %ne3A_26, %ne3A_22 : i1
    %add3A = arith.addi %rem3A_20, %select_n3A_19 : i32
    %select_n3A_28 = arith.select %and3A_27, %add3A, %rem3A_20 : i32
    %c0_i32 = arith.constant 0 : i32
    %c0_i32_29 = arith.constant 0 : i32
    %c0_i32_30 = arith.constant 0 : i32
    return %select_n3A, %select_n3A_28, %c0_i32, %c0_i32_29 : i32, i32, i32, i32
  }
  func.func @transform_1(%arg0: i32, %arg1: i32) -> (i32, i32, i32, i32) {
    %jit3A = arith.constant 16 : i32
    %div3A = arith.divsi %arg0, %jit3A : i32
    %sign3A = arith.constant 0 : i32
    %sign3A_0 = arith.cmpi sgt, %arg0, %sign3A : i32
    %sign3A_1 = arith.extui %sign3A_0 : i1 to i32
    %sign3A_2 = arith.constant 0 : i32
    %sign3A_3 = arith.cmpi slt, %arg0, %sign3A_2 : i32
    %sign3A_4 = arith.extui %sign3A_3 : i1 to i32
    %sign3A_5 = arith.subi %sign3A_1, %sign3A_4 : i32
    %sign3A_6 = arith.constant 0 : i32
    %sign3A_7 = arith.cmpi sgt, %jit3A, %sign3A_6 : i32
    %sign3A_8 = arith.extui %sign3A_7 : i1 to i32
    %sign3A_9 = arith.constant 0 : i32
    %sign3A_10 = arith.cmpi slt, %jit3A, %sign3A_9 : i32
    %sign3A_11 = arith.extui %sign3A_10 : i1 to i32
    %sign3A_12 = arith.subi %sign3A_8, %sign3A_11 : i32
    %ne3A = arith.cmpi ne, %sign3A_5, %sign3A_12 : i32
    %rem3A = arith.remsi %arg0, %jit3A : i32
    %ne3A_13 = arith.constant 0 : i32
    %ne3A_14 = arith.cmpi ne, %rem3A, %ne3A_13 : i32
    %and3A = arith.andi %ne3A, %ne3A_14 : i1
    %sub3A = arith.constant 1 : i32
    %sub3A_15 = arith.subi %div3A, %sub3A : i32
    %select_n3A = arith.select %and3A, %sub3A_15, %div3A : i32
    %jit3A_16 = arith.constant 16 : i32
    %eq3A = arith.constant 0 : i32
    %eq3A_17 = arith.cmpi eq, %jit3A_16, %eq3A : i32
    %jit3A_18 = arith.constant 1 : i32
    %select_n3A_19 = arith.select %eq3A_17, %jit3A_18, %jit3A_16 : i32
    %rem3A_20 = arith.remsi %arg0, %select_n3A_19 : i32
    %ne3A_21 = arith.constant 0 : i32
    %ne3A_22 = arith.cmpi ne, %rem3A_20, %ne3A_21 : i32
    %lt3A = arith.constant 0 : i32
    %lt3A_23 = arith.cmpi slt, %rem3A_20, %lt3A : i32
    %lt3A_24 = arith.constant 0 : i32
    %lt3A_25 = arith.cmpi slt, %select_n3A_19, %lt3A_24 : i32
    %ne3A_26 = arith.xori %lt3A_23, %lt3A_25 : i1
    %and3A_27 = arith.andi %ne3A_26, %ne3A_22 : i1
    %add3A = arith.addi %rem3A_20, %select_n3A_19 : i32
    %select_n3A_28 = arith.select %and3A_27, %add3A, %rem3A_20 : i32
    %c0_i32 = arith.constant 0 : i32
    %c0_i32_29 = arith.constant 0 : i32
    return %select_n3A, %select_n3A_28, %arg1, %c0_i32 : i32, i32, i32, i32
  }
  func.func @transform_2(%arg0: i32, %arg1: i32) -> (i32, i32, i32) {
    %jit3A = arith.constant 16 : i32
    %div3A = arith.divsi %arg0, %jit3A : i32
    %sign3A = arith.constant 0 : i32
    %sign3A_0 = arith.cmpi sgt, %arg0, %sign3A : i32
    %sign3A_1 = arith.extui %sign3A_0 : i1 to i32
    %sign3A_2 = arith.constant 0 : i32
    %sign3A_3 = arith.cmpi slt, %arg0, %sign3A_2 : i32
    %sign3A_4 = arith.extui %sign3A_3 : i1 to i32
    %sign3A_5 = arith.subi %sign3A_1, %sign3A_4 : i32
    %sign3A_6 = arith.constant 0 : i32
    %sign3A_7 = arith.cmpi sgt, %jit3A, %sign3A_6 : i32
    %sign3A_8 = arith.extui %sign3A_7 : i1 to i32
    %sign3A_9 = arith.constant 0 : i32
    %sign3A_10 = arith.cmpi slt, %jit3A, %sign3A_9 : i32
    %sign3A_11 = arith.extui %sign3A_10 : i1 to i32
    %sign3A_12 = arith.subi %sign3A_8, %sign3A_11 : i32
    %ne3A = arith.cmpi ne, %sign3A_5, %sign3A_12 : i32
    %rem3A = arith.remsi %arg0, %jit3A : i32
    %ne3A_13 = arith.constant 0 : i32
    %ne3A_14 = arith.cmpi ne, %rem3A, %ne3A_13 : i32
    %and3A = arith.andi %ne3A, %ne3A_14 : i1
    %sub3A = arith.constant 1 : i32
    %sub3A_15 = arith.subi %div3A, %sub3A : i32
    %select_n3A = arith.select %and3A, %sub3A_15, %div3A : i32
    %jit3A_16 = arith.constant 16 : i32
    %eq3A = arith.constant 0 : i32
    %eq3A_17 = arith.cmpi eq, %jit3A_16, %eq3A : i32
    %jit3A_18 = arith.constant 1 : i32
    %select_n3A_19 = arith.select %eq3A_17, %jit3A_18, %jit3A_16 : i32
    %rem3A_20 = arith.remsi %arg0, %select_n3A_19 : i32
    %ne3A_21 = arith.constant 0 : i32
    %ne3A_22 = arith.cmpi ne, %rem3A_20, %ne3A_21 : i32
    %lt3A = arith.constant 0 : i32
    %lt3A_23 = arith.cmpi slt, %rem3A_20, %lt3A : i32
    %lt3A_24 = arith.constant 0 : i32
    %lt3A_25 = arith.cmpi slt, %select_n3A_19, %lt3A_24 : i32
    %ne3A_26 = arith.xori %lt3A_23, %lt3A_25 : i1
    %and3A_27 = arith.andi %ne3A_26, %ne3A_22 : i1
    %add3A = arith.addi %rem3A_20, %select_n3A_19 : i32
    %select_n3A_28 = arith.select %and3A_27, %add3A, %rem3A_20 : i32
    %c0_i32 = arith.constant 0 : i32
    return %select_n3A, %arg1, %select_n3A_28 : i32, i32, i32
  }
  func.func @transform_3(%arg0: i32, %arg1: i32) -> (i32, i32, i32) {
    %jit3A = arith.constant 16 : i32
    %div3A = arith.divsi %arg0, %jit3A : i32
    %sign3A = arith.constant 0 : i32
    %sign3A_0 = arith.cmpi sgt, %arg0, %sign3A : i32
    %sign3A_1 = arith.extui %sign3A_0 : i1 to i32
    %sign3A_2 = arith.constant 0 : i32
    %sign3A_3 = arith.cmpi slt, %arg0, %sign3A_2 : i32
    %sign3A_4 = arith.extui %sign3A_3 : i1 to i32
    %sign3A_5 = arith.subi %sign3A_1, %sign3A_4 : i32
    %sign3A_6 = arith.constant 0 : i32
    %sign3A_7 = arith.cmpi sgt, %jit3A, %sign3A_6 : i32
    %sign3A_8 = arith.extui %sign3A_7 : i1 to i32
    %sign3A_9 = arith.constant 0 : i32
    %sign3A_10 = arith.cmpi slt, %jit3A, %sign3A_9 : i32
    %sign3A_11 = arith.extui %sign3A_10 : i1 to i32
    %sign3A_12 = arith.subi %sign3A_8, %sign3A_11 : i32
    %ne3A = arith.cmpi ne, %sign3A_5, %sign3A_12 : i32
    %rem3A = arith.remsi %arg0, %jit3A : i32
    %ne3A_13 = arith.constant 0 : i32
    %ne3A_14 = arith.cmpi ne, %rem3A, %ne3A_13 : i32
    %and3A = arith.andi %ne3A, %ne3A_14 : i1
    %sub3A = arith.constant 1 : i32
    %sub3A_15 = arith.subi %div3A, %sub3A : i32
    %select_n3A = arith.select %and3A, %sub3A_15, %div3A : i32
    %jit3A_16 = arith.constant 16 : i32
    %eq3A = arith.constant 0 : i32
    %eq3A_17 = arith.cmpi eq, %jit3A_16, %eq3A : i32
    %jit3A_18 = arith.constant 1 : i32
    %select_n3A_19 = arith.select %eq3A_17, %jit3A_18, %jit3A_16 : i32
    %rem3A_20 = arith.remsi %arg0, %select_n3A_19 : i32
    %ne3A_21 = arith.constant 0 : i32
    %ne3A_22 = arith.cmpi ne, %rem3A_20, %ne3A_21 : i32
    %lt3A = arith.constant 0 : i32
    %lt3A_23 = arith.cmpi slt, %rem3A_20, %lt3A : i32
    %lt3A_24 = arith.constant 0 : i32
    %lt3A_25 = arith.cmpi slt, %select_n3A_19, %lt3A_24 : i32
    %ne3A_26 = arith.xori %lt3A_23, %lt3A_25 : i1
    %and3A_27 = arith.andi %ne3A_26, %ne3A_22 : i1
    %add3A = arith.addi %rem3A_20, %select_n3A_19 : i32
    %select_n3A_28 = arith.select %and3A_27, %add3A, %rem3A_20 : i32
    %c0_i32 = arith.constant 0 : i32
    %c0_i32_29 = arith.constant 0 : i32
    return %select_n3A, %c0_i32, %select_n3A_28 : i32, i32, i32
  }
  func.func @transform_4(%arg0: i32, %arg1: i32) -> (i32, i32, i32, i32) {
    %jit3A = arith.constant 16 : i32
    %div3A = arith.divsi %arg0, %jit3A : i32
    %sign3A = arith.constant 0 : i32
    %sign3A_0 = arith.cmpi sgt, %arg0, %sign3A : i32
    %sign3A_1 = arith.extui %sign3A_0 : i1 to i32
    %sign3A_2 = arith.constant 0 : i32
    %sign3A_3 = arith.cmpi slt, %arg0, %sign3A_2 : i32
    %sign3A_4 = arith.extui %sign3A_3 : i1 to i32
    %sign3A_5 = arith.subi %sign3A_1, %sign3A_4 : i32
    %sign3A_6 = arith.constant 0 : i32
    %sign3A_7 = arith.cmpi sgt, %jit3A, %sign3A_6 : i32
    %sign3A_8 = arith.extui %sign3A_7 : i1 to i32
    %sign3A_9 = arith.constant 0 : i32
    %sign3A_10 = arith.cmpi slt, %jit3A, %sign3A_9 : i32
    %sign3A_11 = arith.extui %sign3A_10 : i1 to i32
    %sign3A_12 = arith.subi %sign3A_8, %sign3A_11 : i32
    %ne3A = arith.cmpi ne, %sign3A_5, %sign3A_12 : i32
    %rem3A = arith.remsi %arg0, %jit3A : i32
    %ne3A_13 = arith.constant 0 : i32
    %ne3A_14 = arith.cmpi ne, %rem3A, %ne3A_13 : i32
    %and3A = arith.andi %ne3A, %ne3A_14 : i1
    %sub3A = arith.constant 1 : i32
    %sub3A_15 = arith.subi %div3A, %sub3A : i32
    %select_n3A = arith.select %and3A, %sub3A_15, %div3A : i32
    %jit3A_16 = arith.constant 16 : i32
    %eq3A = arith.constant 0 : i32
    %eq3A_17 = arith.cmpi eq, %jit3A_16, %eq3A : i32
    %jit3A_18 = arith.constant 1 : i32
    %select_n3A_19 = arith.select %eq3A_17, %jit3A_18, %jit3A_16 : i32
    %rem3A_20 = arith.remsi %arg0, %select_n3A_19 : i32
    %ne3A_21 = arith.constant 0 : i32
    %ne3A_22 = arith.cmpi ne, %rem3A_20, %ne3A_21 : i32
    %lt3A = arith.constant 0 : i32
    %lt3A_23 = arith.cmpi slt, %rem3A_20, %lt3A : i32
    %lt3A_24 = arith.constant 0 : i32
    %lt3A_25 = arith.cmpi slt, %select_n3A_19, %lt3A_24 : i32
    %ne3A_26 = arith.xori %lt3A_23, %lt3A_25 : i1
    %and3A_27 = arith.andi %ne3A_26, %ne3A_22 : i1
    %add3A = arith.addi %rem3A_20, %select_n3A_19 : i32
    %select_n3A_28 = arith.select %and3A_27, %add3A, %rem3A_20 : i32
    %c0_i32 = arith.constant 0 : i32
    %c0_i32_29 = arith.constant 0 : i32
    return %select_n3A, %select_n3A_28, %c0_i32, %arg1 : i32, i32, i32, i32
  }
}

module attributes {stable_mosaic.version = 14 : i64} {
  func.func @_mm_body(%arg0: i32, %arg1: i32, %arg2: memref<1024x2048xbf16, #tpu.memory_space<vmem>>, %arg3: memref<2048x512xbf16, #tpu.memory_space<vmem>>, %arg4: memref<1x1x512xf32, #tpu.memory_space<vmem>>, %arg5: memref<1x1024x512xf32, #tpu.memory_space<vmem>>) attributes {dimension_semantics = [#tpu.dimension_semantics<parallel>, #tpu.dimension_semantics<parallel>], iteration_bounds = array<i64: 4, 4>, scalar_prefetch = 0 : i64, scratch_operands = 0 : i64, tpu.core_type = #tpu.core_type<tc>, window_params = [{transform_indices = @transform_0, window_bounds = array<i64: 1024, 2048>}, {transform_indices = @transform_1, window_bounds = array<i64: 2048, 512>}, {transform_indices = @transform_2, window_bounds = array<i64: 1, 1, 512>}, {transform_indices = @transform_3, window_bounds = array<i64: 1, 1024, 512>}]} {
    %get3A = arith.constant 0 : index
    %get3A_0 = arith.constant 0 : index
    %get3A_1 = vector.load %arg2[%get3A, %get3A_0] : memref<1024x2048xbf16, #tpu.memory_space<vmem>>, vector<1024x2048xbf16>
    %get3A_2 = arith.constant 0 : index
    %get3A_3 = arith.constant 0 : index
    %get3A_4 = vector.load %arg3[%get3A_2, %get3A_3] : memref<2048x512xbf16, #tpu.memory_space<vmem>>, vector<2048x512xbf16>
    %dot_general3A = arith.constant dense<0.000000e+00> : vector<1024x512xf32>
    %dot_general3A_5 = tpu.matmul %get3A_1, %get3A_4, %dot_general3A {dimension_numbers = #tpu.dot_dimension_numbers<[1], [0], [0], [1], [0, 0, 1, 1], [], []>, transpose_lhs_hint = false} : vector<1024x2048xbf16>, vector<2048x512xbf16>, vector<1024x512xf32> -> vector<1024x512xf32>
    %get3A_6 = arith.constant 0 : index
    %get3A_7 = arith.constant 0 : index
    %get3A_8 = arith.constant 0 : index
    %get3A_9 = vector.load %arg4[%get3A_6, %get3A_7, %get3A_8] : memref<1x1x512xf32, #tpu.memory_space<vmem>>, vector<1x1x512xf32>
    %get3A_10 = vector.shape_cast %get3A_9 : vector<1x1x512xf32> to vector<1x512xf32>
    %add3A = vector.broadcast %get3A_10 : vector<1x512xf32> to vector<1024x512xf32>
    %add3A_11 = arith.addf %dot_general3A_5, %add3A : vector<1024x512xf32>
    %swap3A = arith.constant 0 : index
    %swap3A_12 = arith.constant 0 : index
    %swap3A_13 = arith.constant 0 : index
    %swap3A_14 = vector.load %arg5[%swap3A, %swap3A_12, %swap3A_13] : memref<1x1024x512xf32, #tpu.memory_space<vmem>>, vector<1x1024x512xf32>
    %swap3A_15 = vector.shape_cast %swap3A_14 : vector<1x1024x512xf32> to vector<1024x512xf32>
    %swap3A_16 = vector.shape_cast %add3A_11 : vector<1024x512xf32> to vector<1x1024x512xf32>
    tpu.vector_store %arg5[%swap3A, %swap3A_12, %swap3A_13], %swap3A_16 {strides = array<i32>} : memref<1x1024x512xf32, #tpu.memory_space<vmem>>, vector<1x1024x512xf32>,
    return
  }
  func.func @transform_0(%arg0: i32, %arg1: i32) -> (i32, i32) {
    %c0_i32 = arith.constant 0 : i32
    %c0_i32_0 = arith.constant 0 : i32
    return %arg0, %c0_i32 : i32, i32
  }
  func.func @transform_1(%arg0: i32, %arg1: i32) -> (i32, i32) {
    %c0_i32 = arith.constant 0 : i32
    %c0_i32_0 = arith.constant 0 : i32
    return %c0_i32, %arg1 : i32, i32
  }
  func.func @transform_2(%arg0: i32, %arg1: i32) -> (i32, i32, i32) {
    %c0_i32 = arith.constant 0 : i32
    %c0_i32_0 = arith.constant 0 : i32
    %c0_i32_1 = arith.constant 0 : i32
    return %arg1, %c0_i32, %c0_i32_0 : i32, i32, i32
  }
  func.func @transform_3(%arg0: i32, %arg1: i32) -> (i32, i32, i32) {
    %jit3A = arith.constant 2 : i32
    %div3A = arith.divsi %arg0, %jit3A : i32
    %sign3A = arith.constant 0 : i32
    %sign3A_0 = arith.cmpi sgt, %arg0, %sign3A : i32
    %sign3A_1 = arith.extui %sign3A_0 : i1 to i32
    %sign3A_2 = arith.constant 0 : i32
    %sign3A_3 = arith.cmpi slt, %arg0, %sign3A_2 : i32
    %sign3A_4 = arith.extui %sign3A_3 : i1 to i32
    %sign3A_5 = arith.subi %sign3A_1, %sign3A_4 : i32
    %sign3A_6 = arith.constant 0 : i32
    %sign3A_7 = arith.cmpi sgt, %jit3A, %sign3A_6 : i32
    %sign3A_8 = arith.extui %sign3A_7 : i1 to i32
    %sign3A_9 = arith.constant 0 : i32
    %sign3A_10 = arith.cmpi slt, %jit3A, %sign3A_9 : i32
    %sign3A_11 = arith.extui %sign3A_10 : i1 to i32
    %sign3A_12 = arith.subi %sign3A_8, %sign3A_11 : i32
    %ne3A = arith.cmpi ne, %sign3A_5, %sign3A_12 : i32
    %rem3A = arith.remsi %arg0, %jit3A : i32
    %ne3A_13 = arith.constant 0 : i32
    %ne3A_14 = arith.cmpi ne, %rem3A, %ne3A_13 : i32
    %and3A = arith.andi %ne3A, %ne3A_14 : i1
    %sub3A = arith.constant 1 : i32
    %sub3A_15 = arith.subi %div3A, %sub3A : i32
    %select_n3A = arith.select %and3A, %sub3A_15, %div3A : i32
    %jit3A_16 = arith.constant 2 : i32
    %eq3A = arith.constant 0 : i32
    %eq3A_17 = arith.cmpi eq, %jit3A_16, %eq3A : i32
    %jit3A_18 = arith.constant 1 : i32
    %select_n3A_19 = arith.select %eq3A_17, %jit3A_18, %jit3A_16 : i32
    %rem3A_20 = arith.remsi %arg0, %select_n3A_19 : i32
    %ne3A_21 = arith.constant 0 : i32
    %ne3A_22 = arith.cmpi ne, %rem3A_20, %ne3A_21 : i32
    %lt3A = arith.constant 0 : i32
    %lt3A_23 = arith.cmpi slt, %rem3A_20, %lt3A : i32
    %lt3A_24 = arith.constant 0 : i32
    %lt3A_25 = arith.cmpi slt, %select_n3A_19, %lt3A_24 : i32
    %ne3A_26 = arith.xori %lt3A_23, %lt3A_25 : i1
    %and3A_27 = arith.andi %ne3A_26, %ne3A_22 : i1
    %add3A = arith.addi %rem3A_20, %select_n3A_19 : i32
    %select_n3A_28 = arith.select %and3A_27, %add3A, %rem3A_20 : i32
    %c0_i32 = arith.constant 0 : i32
    return %select_n3A, %select_n3A_28, %arg1 : i32, i32, i32
  }
}

</mosaic_0001>

<sc_bundles>
// kernel: sparse-core-data-format-call.1.cloned.1.call-start
scs
called_computation.1_lowered:
.L_overlay_start_0:
0x0: {  	s2 =	sld [smem:$0x3FD9]  }
0x1: {  	s3 =	sld [smem:$0x3FFE];
	_ =	sdelay $0x1  }
0x2: {  	s1 =	srdreg.scid  }
0x3: {  	s0 =	sand.u32 $0x1, s1  }
0x4: {  	s15 =	sshll.u32 s0, $0xA;
	s2 =	sadd.s32 s3, s2  }
0x5: {  	s2 =	sadd.s32 s2, s15  }
0x6: {  	[smem:$0x3FBF] =	sst s2  }
0x7: {  	_ = 	snop  }
0x8: {  	s2 =	sld [smem:$0x3FD0];
	_ =	sdelay $0x2  }
0x9: {  	s16 =	simm.s32 $0xB;
	s4 =	simm.s32 $0x10  }
0xa: {  	[smem:s4], [sflag:s16] =	dma.local [hbm:s2], $0x1  }
0xb: {  	_ =	swait.eq [sflag:s16], $0x1  }
0xc: {  	[sflag:s16] =	ssyncset.done $0x0  }
0xd: {  	[sflag:s16] =	ssyncadd.s32 $0xFFFFFFFF  }
0xe: {  	s17 =	sld [smem:$0x10];
	(tm) =	ssettm $0x1  }
0xf: {  	s18 =	sld [smem:$0x3FFB];
	_ =	sdelay $0x3  }
0x10: {  	_ =	strace s18  }
0x11: {  	s3 =	sld [smem:$0x3FFC];
	_ =	sdelay $0x3  }
0x12: {  	_ =	strace s3  }
0x13: {  	s3 =	sld [smem:$0x3FFD];
	_ =	sdelay $0x3  }
0x14: {  	_ =	strace s3  }
0x15: {  	_ =	strace $0x8FFFFFFF  }
0x16: {  	s19 =	sld [smem:$0x3FDB];
	_ =	sdelay $0x1  }
0x17: {  	s20 =	simm.s32 $_scs_section_size  }
0x18: {  	s5 =	simm.s32 $_size__tile_overlayer_lowered;
	s6 =	simm.s32 $_tile_overlayer_lowered  }
0x19: {  	s23 =	simm.s32 $0x1BFF;
	s22 =	sshll.u32 s6, $0x1;
	s3 =	sadd.s32 s20, s19  }
0x1a: {  	s7 =	simm.s32 $0x0;
	s21 =	sshll.u32 s5, $0x1;
	s5 =	sadd.s32 s22, s3  }
0x1b: {  	[timem:s7], [sflag:s23] =	dma.local [hbm:s5], s21  }
0x1c: {  	_ =	swait.ge [sflag:s23], s21  }
0x1d: {  	s4 =	ssub.s32 $0x0, s21;
	[sflag:s23] =	ssyncset.done $0x0  }
0x1e: {  	[sflag:s23] =	ssyncadd.s32 s4;
	_ =	sdelay $0x1  }
0x1f: {  	s24 =	simm.s32 $0x1B8B  }
0x20: {  	_ =	swait.ge [sflag:s24], $0x1  }
0x21: {  	[sflag:s24] =	ssyncset.done $0x0  }
0x22: {  	s26 =	simm.s32 $0x1B8E;
	s25 =	sld [smem:$0x3FFE];
	[sflag:s24] =	ssyncadd.s32 $0xFFFFFFFF  }
0x23: {  	s27 =	simm.s32 $execute0_lowered;
	[smem:$0x3FD2] =	sst s26  }
0x24: {  	s5 =	sshll.u32 s27, $0x1;
	_ =	strace $0x80000046;
	[dreg:$0x1] =	wrdreg $0xFFFFFFFF  }
0x25: {  	s28 =	simm.s32 $_size_execute0_lowered;
	s3 =	sadd.s32 s3, s5;
	[dreg:$0x0] =	wrdreg $0x0  }
0x26: {  	s5 =	sshll.u32 s28, $0x1;
	[dreg:$0x2] =	wrdreg s3  }
0x27: {  	[dreg:$0x3] =	wrdreg s5  }
0x28: {  	[dreg:$0x4] =	wrdreg $0xC0  }
0x29: {  	_ =	task [dreg:s7], $0x5FFFF  }
0x2a: {  	[dreg:$0x1] =	wrdreg $0xFFFFFFFF  }
0x2b: {  	[dreg:$0x0] =	wrdreg $0x60  }
0x2c: {  	[dreg:$0x2] =	wrdreg s17  }
0x2d: {  	[dreg:$0x3] =	wrdreg s25  }
0x2e: {  	[dreg:$0x4] =	wrdreg $0xA  }
0x2f: {  	_ =	task.clear_ibuf [dreg:s7], $0x5FFFF;
	_ =	strace $0x90000046  }
0x30: {  	s29 =	simm.s32 $0xA;
	_ =	strace $0x80000048  }
0x31: {  	_ =	swait.ge [sflag:s29], $0x1  }
0x32: {  	[sflag:s29] =	ssyncadd.s32 $0xFFFFFFFF  }
0x33: {  	_ =	strace $0x90000048  }
0x34: {  	_ =	sfence  }
0x35: {  	s30 =	sld [smem:$0x0];
	_ =	sdelay $0x2  }
0x36: {  	s31 =	sshll.u32 s1, $0xD;
	s1 =	sshrl.u32 s1, $0x2  }
0x37: {  	s3 =	sand.u32 $0x4000, s31;
	s1 =	sadd.s32 s1, s30  }
0x38: {  	s0 =	sor.u32 s3, s0;
	s1 =	sshll.u32 s1, $0x11  }
0x39: {  	s0 =	sor.u32 s1, s0  }
0x3a: {  	s0 =	sadd.s32 $0x8F2B, s0  }
0x3b: {  	[sflag:s0] =	ssyncadd.remote.s32 $0x1  }
0x3c: {  	_ =	sfence.sel $0xFFFF  }
0x3d: {  	[dreg:$0x0] =	wrdreg $0xFFFFFFFF;
	(pc) =	sbr.abs _section_cstart, $3  }
0x3e: {  	[dreg:$0x1] =	wrdreg $0xFFFFFFFF  }
0x3f: {  	_ =	task.clear_ibuf [dreg:s7], $0x2FFFF;
	_ =	strace $0x9FFFFFFF  }
0x40: {  	(tm) =	ssettm $0x7FFFFFFF  }
0x41: {  	_ =	shalt  }
tec
execute0_lowered:
.L_overlay_start_1:
0x0: {  	(tag) =	ssettag $0x1  }
0x1: {  	s2 =	rddreg [dreg:$0x0];
	s0 =	srdreg.scid  }
0x2: {  	s3 =	rddreg [dreg:$0x1];
	s1 =	stileid.u32;
	s9 =	simm.s32 $0x2  }
0x3: {  	s17 =	simm.s32 $0x0;
	p0 =	por $0x0, $0x0;
	s14 =	simm.s32 $0x0  }
0x4: {  	s15 =	simm.s32 $0x0;
	s16 =	simm.s32 $0x0;
	s10 =	simm.s32 $0x0  }
0x5: {  	s13 =	simm.s32 $0x0;
	s4 =	sshll.u32 s0, $0x4;
	s0 =	rddreg [dreg:$0x2]  }
0x6: {  	_ =	strace $0x80000047;
	s5 =	sand.u32 $0x10, s4;
	s4 =	sand.u32 $0x1, s1  }
.Ltmp0:
0x7: {  	s6 =	sor.u32 s1, s5;
	s7 =	ssub.s32 $0x2, s4;
	(pc) =	sbr.rel .LBB1_1-.Ltmp0, $4  }
0x8: {  	s5 =	simm.s32 $0x1;
	s8 =	sshrl.u32 s7, $0x1;
	s7 =	sand.u32 $0x1, s7  }
0x9: {  	s12 =	smov.u32 s4;
	[sflag:s5] =	ssyncpa.u1 $0x0;
	s7 =	sadd.s32 s7, s8  }
0xa: {  	s6 =	sshrl.u32 s6, $0x1;
	[sflag:s9] =	ssyncpa.u1 $0x0;
	s7 =	sshll.u32 s7, $0x4  }
0xb: {  	s9 =	simm.s32 $0x0;
	s11 =	smov.u32 s6;
	s8 =	sor.u32 $0x1, s7  }
.LBB1_4:
0xc: {  	v5 =	vld [tilespmem:s20+$0xFFFFFFD0];
	[tilespmem:s21+$0x2040 ss:$0x81] =	vst.msk $0xffff, v1  }
0xd: {  	v58 =	vld [tilespmem:s20+$0xFFFFFFE0];
	[tilespmem:s21+$0x2850 ss:$0x81] =	vst.msk $0xffff, v2  }
0xe: {  	s22 =	sshra.s32 s22, $0x2;
	v59 =	vld [tilespmem:s20+$0xFFFFFFF0];
	[tilespmem:s21+$0x3060 ss:$0x81] =	vst.msk $0xffff, v3  }
0xf: {  	v60 =	vld [tilespmem:s20+$0x0];
	[tilespmem:s21+$0x0 ss:$0x81] =	vst.msk $0xffff, v0;
	s19 =	sadd.s32 s22, s19  }
0x10: {  	v61 =	vld [tilespmem:s20+$0x10];
	[tilespmem:s19+$0x3870 ss:$0x81] =	vst.msk $0xffff, v4  }
0x11: {  	s17 =	sshll.u32 s17, $0x7;
	s26 =	sshll.u32 s14, $0x3;
	v62 =	vld [tilespmem:s20+$0x20];
	[tilespmem:s19+$0x810 ss:$0x81] =	vst.msk $0xffff, v5  }
0x12: {  	v63 =	vld [tilespmem:s20+$0xFFFFFFC0];
	s16 =	sshll.u32 s16, $0x13;
	s27 =	sand.u32 $0x3FC00, s17;
	s21 =	sand.u32 $0x3FC00, s26;
	[tilespmem:s19+$0x1020 ss:$0x81] =	vst.msk $0xffff, v58  }
0x13: {  	s15 =	sshll.u32 s15, $0xF;
	s17 =	sand.u32 $0x380, s17;
	s28 =	sadd.s32 s21, s27;
	[tilespmem:s19+$0x1830 ss:$0x81] =	vst.msk $0xffff, v59  }
0x14: {  	s29 =	sshrl.u32 s14, $0x3;
	s16 =	sadd.s32 s3, s16;
	s17 =	sor.u32 s17, s28;
	[tilespmem:s19+$0x2040 ss:$0x81] =	vst.msk $0xffff, v60  }
0x15: {  	s20 =	sand.u32 $0xF, s29;
	s15 =	sadd.s32 s15, s16;
	s17 =	sshrl.u32 s17, $0x3;
	[tilespmem:s19+$0x2850 ss:$0x81] =	vst.msk $0xffff, v61  }
0x16: {  	s15 =	sadd.s32 s20, s15;
	[tilespmem:s19+$0x3060 ss:$0x81] =	vst.msk $0xffff, v62;
	s30 =	sand.u32 $0x7FF0, s17  }
0x17: {  	s31 =	sand.u32 $0x7, s14;
	[tilespmem:s19+$0x0 ss:$0x81] =	vst.msk $0xffff, v63;
	s15 =	sadd.s32 s30, s15  }
0x18: {  	[hbm4b:s15+s31] =	stream.linear.scatter [tilespmem:s18], [sflag:$0x2], $0x4000, $0x20;
	[tilespmem:$0x10100] =	vst v63  }
.LBB1_5:
0x19: {  	s18 =	sadd.s32 $0x80, s9  }
0x1a: {  	s14 =	sadd.s32 $0x80, s10;
	s19 =	smov.u32 s10;
	p2 =	sgt.s32 s18, $0x7FF  }
0x1b: {  	s19 =	smov.u32 @p2 s14  }
0x1c: {  	s20 =	smov.u32 s11;
	s14 =	sadd.s32 $0x10, s11;
	p3 =	sgt.s32 s19, $0x7F  }
0x1d: {  	s20 =	smov.u32 @p3 s14  }
0x1e: {  	s21 =	smov.u32 s12;
	s14 =	sadd.s32 $0x2, s12;
	p4 =	sgt.s32 s20, $0xF  }
0x1f: {  	p1 =	slt.u32 s13, $0x2;
	s21 =	smov.u32 @p4 s14  }
0x20: {  	s17 =	smov.u32 s9;
	s18 =	simm.s32 @p2 $0x0;
	p2 =	sgt.s32 s21, $0x1  }
0x21: {  	s22 =	simm.s32 @!p1 $0x2;
	s21 =	smov.u32 @p2 s4;
	p2 =	sne.s32 s13, s8  }
.Ltmp1:
0x22: {  	s15 =	smov.u32 s11;
	_ =	swait.ge @!p1 [sflag:s22], $0x4000;
	(pc) =	sbr.rel @!p2 .LBB1_6-.Ltmp1, $4  }
0x23: {  	s16 =	smov.u32 s12;
	p0 =	por !p0, !p0;
	[sflag:s22] =	ssyncset.done @!p1 $0x0  }
0x24: {  	s9 =	smov.u32 s18;
	s19 =	simm.s32 @p3 $0x0;
	[sflag:s22] =	ssyncadd.s32 @!p1 $0xFFFFC000  }
0x25: {  	s20 =	smov.u32 @p4 s6;
	s14 =	smov.u32 s10;
	s10 =	smov.u32 s19  }
0x26: {  	s11 =	smov.u32 s20;
	s13 =	sadd.s32 $0x1, s13;
	s12 =	smov.u32 s21  }
.LBB1_1:
0x27: {  	p1 =	sge.u32 s13, s7  }
0x28: {  	s31 =	sadd.s32 $0xFFFFFFFF, s13;
	s18 =	sxor.u32 @!p1 $0xFFFFFFFF, s13;
	s19 =	sand.u32 @!p1 $0x78, s9  }
0x29: {  	s20 =	sshll.u32 @!p1 s10, $0x7;
	s21 =	sshll.u32 @!p1 s10, $0xB;
	s22 =	sshll.u32 @!p1 s9, $0x3  }
0x2a: {  	s18 =	sshll.u32 @!p1 s18, $0xE;
	s20 =	sand.u32 @!p1 $0x380, s20;
	s21 =	sand.u32 @!p1 $0x3C000, s21  }
0x2b: {  	s18 =	sand.u32 @!p1 $0x4000, s18;
	s19 =	sor.u32 @!p1 s20, s19;
	s20 =	sand.u32 @!p1 $0x400, s22  }
0x2c: {  	s21 =	sadd.s32 @!p1 s21, s22;
	s19 =	sor.u32 @!p1 s20, s19;
	s20 =	sshll.u32 @!p1 s12, $0x13  }
0x2d: {  	s22 =	sshll.u32 @!p1 s11, $0xF;
	s21 =	sshrl.u32 @!p1 s21, $0x3;
	s20 =	sadd.s32 @!p1 s2, s20  }
0x2e: {  	s21 =	sand.u32 @!p1 $0x7F00, s21;
	s20 =	sadd.s32 @!p1 s22, s20;
	s22 =	sand.u32 @!p1 $0x7, s9  }
0x2f: {  	s19 =	sshrl.u32 @!p1 s19, $0x3;
	s20 =	sadd.s32 @!p1 s21, s20;
	s21 =	sshll.u32 @!p1 s22, $0x12  }
0x30: {  	s19 =	sadd.s32 @!p1 s19, s20;
	s20 =	sor.u32 @!p1 $0x400, s21;
	s21 =	simm.s32 @!p1 $0x4000  }
0x31: {  	[tilespmem:s18], [sflag:$0x1] =	stream.strided.gather @!p1 [hbm4b:s19+s20], $0x4000, s21, s20, $0x38;
	[tilespmem:$0x10100] =	vst v63  }
0x32: {  	p1 =	sge.u32 s31, s7  }
.Ltmp2:
0x33: {  	_ = 	snop;
	(pc) =	sbr.rel @p1 .LBB1_5-.Ltmp2, $1  }
0x34: {  	_ =	sdelay $0x3  }
0x35: {  	s18 =	simm.s32 $0x1  }
0x36: {  	_ =	swait.ge [sflag:s5], $0x4000;
	s18 =	simm.s32 @!p0 $0x0  }
0x37: {  	[sflag:s5] =	ssyncset.done $0x0;
	s19 =	sshll.u32 s18, $0xE  }
0x38: {  	[sflag:s5] =	ssyncadd.s32 $0xFFFFC000;
	s20 =	sor.u32 $0x40, s19  }
0x39: {  	s18 =	smul.u32 $0x10200, s18;
	v0 =	vld [tilespmem:s20+$0x30]  }
0x3a: {  	v3 =	vld [tilespmem:s20+$0xFFFFFFD0]  }
0x3b: {  	s18 =	sshrl.u32 s18, $0x2;
	v4 =	vld [tilespmem:s20+$0xFFFFFFE0]  }
0x3c: {  	v5 =	vld [tilespmem:s20+$0xFFFFFFF0];
	s19 =	sor.u32 $0x8000, s18  }
0x3d: {  	s31 =	sand.u32 $0x1, s13;
	v1 =	vld [tilespmem:s20+$0x0];
	s21 =	sadd.s32 $0x0, s19  }
0x3e: {  	v2 =	vld [tilespmem:s20+$0x10];
	s18 =	smul.u32 $0x10200, s31;
	[tilespmem:s21+$0x3870 ss:$0x81] =	vst.msk $0xffff, v0  }
0x3f: {  	[tilespmem:s21+$0x810 ss:$0x81] =	vst.msk $0xffff, v3;
	v3 =	vld [tilespmem:s20+$0x20]  }
0x40: {  	s18 =	sshrl.u32 s18, $0x2;
	v0 =	vld [tilespmem:s20+$0xFFFFFFC0];
	[tilespmem:s21+$0x1020 ss:$0x81] =	vst.msk $0xffff, v4;
	s20 =	sadd.s32 $0x80, s20  }
0x41: {  	s22 =	simm.s32 $0x4;
	s23 =	simm.s32 $0x8;
	s18 =	sor.u32 $0x8000, s18;
	[tilespmem:s21+$0x1830 ss:$0x81] =	vst.msk $0xffff, v5;
	v4 =	vld [tilespmem:s20+$0x30]  }
.LBB1_3:
0x42: {  	p1 =	sne.s32 s23, $0x1FC;
	v5 =	vld [tilespmem:s20+$0xFFFFFFD0];
	[tilespmem:s21+$0x2040 ss:$0x81] =	vst.msk $0xffff, v1  }
0x43: {  	v6 =	vld [tilespmem:s20+$0xFFFFFFE0];
	[tilespmem:s21+$0x2850 ss:$0x81] =	vst.msk $0xffff, v2  }
0x44: {  	s24 =	sshra.s32 s22, $0x2;
	s22 =	smov.u32 s23;
	v7 =	vld [tilespmem:s20+$0xFFFFFFF0];
	[tilespmem:s21+$0x3060 ss:$0x81] =	vst.msk $0xffff, v3  }
.Ltmp3:
0x45: {  	v1 =	vld [tilespmem:s20+$0x0];
	[tilespmem:s21+$0x0 ss:$0x81] =	vst.msk $0xffff, v0;
	s21 =	sadd.s32 s24, s19;
	(pc) =	sbr.rel @p1 .LBB1_3-.Ltmp3, $4  }
0x46: {  	v2 =	vld [tilespmem:s20+$0x10];
	[tilespmem:s21+$0x3870 ss:$0x81] =	vst.msk $0xffff, v4  }
0x47: {  	[tilespmem:s21+$0x810 ss:$0x81] =	vst.msk $0xffff, v5;
	v3 =	vld [tilespmem:s20+$0x20]  }
0x48: {  	v0 =	vld [tilespmem:s20+$0xFFFFFFC0];
	[tilespmem:s21+$0x1020 ss:$0x81] =	vst.msk $0xffff, v6;
	s20 =	sadd.s32 $0x80, s20  }
0x49: {  	s23 =	sadd.s32 $0x4, s23;
	v4 =	vld [tilespmem:s20+$0x30];
	[tilespmem:s21+$0x1830 ss:$0x81] =	vst.msk $0xffff, v7  }
.Ltmp4:
0x4a: {  	_ = 	snop;
	(pc) =	sbr.rel .LBB1_4-.Ltmp4, $1  }
0x4b: {  	_ =	sdelay $0x3  }
.LBB1_6:
0x4c: {  	_ =	sfence.sel $0x180000  }
0x4d: {  	s2 =	simm.s32 $0x1;
	[bflag:$0x0] =	sbarrier.arrive $0xFFFF  }
0x4e: {  	s31 =	simm.s32 $0x2;
	[sflag:s2] =	ssyncpa.u1 $0x1  }
0x4f: {  	[sflag:s31] =	ssyncpa.u1 $0x1  }
0x50: {  	p0 =	sne.s32 s1, $0x0;
	_ =	strace $0x90000047  }
0x51: {  	s0 =	sadd.s32 @!p0 $0x100000, s0;
	[bflag:$0x2] =	sbarrier.arrive $0xFFFF  }
0x52: {  	[sflag:s0] =	ssyncadd.tile.s32 @!p0 $0x1;
	_ =	shalt  }
.Lfunc_end1:
_tile_overlayer_lowered:
.L_overlay_start_2:
0x53: {  	(tag) =	ssettag $0x2  }
0x54: {  	s0 =	rddreg [dreg:$0x0];
	s2 =	stileid.u32  }
0x55: {  	s1 =	rddreg [dreg:$0x1];
	p0 =	sne.s32 s2, $0x0  }
0x56: {  	s3 =	rddreg [dreg:$0x2];
	[bflag:$0x3] =	sbarrier.arrive $0xFFFF;
	s2 =	simm.s32 @!p0 $0x1C01  }
0x57: {  	[timem:s3], [sflag:s2] =	dma.local @!p0 [hbm:s0], s1  }
0x58: {  	s0 =	simm.s32 @!p0 $0x1  }
0x59: {  	_ =	swait.ge @!p0 [sflag:s0], s1  }
0x5a: {  	s1 =	ssub.s32 @!p0 $0x0, s1;
	[sflag:s0] =	ssyncset.done @!p0 $0x0  }
0x5b: {  	[sflag:s0] =	ssyncadd.s32 @!p0 s1  }
0x5c: {  	[bflag:$0x3] =	sbarrier.arrive $0xFFFF  }
0x5d: {  	_ =	shalt  }

// kernel: sparse-core-data-format-call.cloned.1.call-start
scs
called_computation_lowered:
.L_overlay_start_0:
0x0: {  	s2 =	sld [smem:$0x3FD9]  }
0x1: {  	s3 =	sld [smem:$0x3FFE];
	_ =	sdelay $0x1  }
0x2: {  	s1 =	srdreg.scid  }
0x3: {  	s0 =	sand.u32 $0x1, s1  }
0x4: {  	s18 =	sshll.u32 s0, $0xA;
	s2 =	sadd.s32 s3, s2  }
0x5: {  	s2 =	sadd.s32 s2, s18  }
0x6: {  	[smem:$0x3FBF] =	sst s2  }
0x7: {  	_ = 	snop  }
0x8: {  	(tm) =	ssettm $0x1  }
0x9: {  	s19 =	sld [smem:$0x3FFB];
	_ =	sdelay $0x3  }
0xa: {  	_ =	strace s19  }
0xb: {  	s2 =	sld [smem:$0x3FFC];
	_ =	sdelay $0x3  }
0xc: {  	_ =	strace s2  }
0xd: {  	s2 =	sld [smem:$0x3FFD];
	_ =	sdelay $0x3  }
0xe: {  	_ =	strace s2  }
0xf: {  	_ =	strace $0x8FFFFFFF  }
0x10: {  	s20 =	sld [smem:$0x3FDB];
	_ =	sdelay $0x1  }
0x11: {  	s21 =	simm.s32 $_scs_section_size  }
0x12: {  	s4 =	simm.s32 $_size__tile_overlayer_lowered;
	s5 =	simm.s32 $_tile_overlayer_lowered  }
0x13: {  	s6 =	simm.s32 $0x1BFF;
	s22 =	sshll.u32 s5, $0x1;
	s3 =	sadd.s32 s21, s20  }
0x14: {  	s23 =	simm.s32 $0x0;
	s4 =	sshll.u32 s4, $0x1;
	s5 =	sadd.s32 s22, s3  }
0x15: {  	[timem:s23], [sflag:s6] =	dma.local [hbm:s5], s4  }
0x16: {  	_ =	swait.ge [sflag:s6], s4  }
0x17: {  	s4 =	ssub.s32 $0x0, s4;
	[sflag:s6] =	ssyncset.done $0x0  }
0x18: {  	[sflag:s6] =	ssyncadd.s32 s4;
	_ =	sdelay $0x1  }
0x19: {  	s24 =	simm.s32 $0x1B8B  }
0x1a: {  	_ =	swait.ge [sflag:s24], $0x1  }
0x1b: {  	[sflag:s24] =	ssyncset.done $0x0  }
0x1c: {  	[sflag:s24] =	ssyncadd.s32 $0xFFFFFFFF  }
0x1d: {  	s4 =	sld [smem:$0x0]  }
0x1e: {  	s5 =	sand.u32 $0xFFFFFFFE, s1  }
0x1f: {  	p0 =	sne.s32 s1, s5  }
0x20: {  	s5 =	sshll.u32 @p0 s5, $0xE  }
0x21: {  	s5 =	sadd.s32 @p0 $0x11B8D, s5;
	s6 =	sshll.u32 @p0 s4, $0x11  }
0x22: {  	s5 =	sor.u32 @p0 s6, s5  }
0x23: {  	[sflag:s5] =	ssyncadd.remote.s32 @p0 $0x1;
	_ =	sdelay $0x1  }
0x24: {  	s5 =	simm.s32 @p0 $0x1B8D  }
0x25: {  	_ =	swait.eq @p0 [sflag:s5], $0x1  }
0x26: {  	[sflag:s5] =	ssyncadd.s32 @p0 $0xFFFFFFFF  }
0x27: {  	s6 =	sshll.u32 @!p0 s1, $0xE  }
0x28: {  	s6 =	sor.u32 @!p0 $0x4000, s6;
	s5 =	simm.s32 @!p0 $0x1B8D  }
0x29: {  	s4 =	sshll.u32 @!p0 s4, $0x11;
	s6 =	sadd.s32 @!p0 $0x11B8D, s6;
	_ =	swait.eq @!p0 [sflag:s5], $0x1  }
0x2a: {  	s4 =	sor.u32 @!p0 s4, s6;
	[sflag:s5] =	ssyncadd.s32 @!p0 $0xFFFFFFFF  }
0x2b: {  	s26 =	simm.s32 $0x1B8E;
	s25 =	sld [smem:$0x3FFE];
	[sflag:s4] =	ssyncadd.remote.s32 @!p0 $0x1  }
0x2c: {  	s27 =	simm.s32 $execute0_lowered;
	[smem:$0x3FD2] =	sst s26  }
0x2d: {  	s5 =	sshll.u32 s27, $0x1;
	_ =	strace $0x80000049;
	[dreg:$0x1] =	wrdreg $0xFFFFFFFF  }
0x2e: {  	s28 =	simm.s32 $_size_execute0_lowered;
	s3 =	sadd.s32 s3, s5;
	[dreg:$0x0] =	wrdreg $0x0  }
0x2f: {  	s5 =	sshll.u32 s28, $0x1;
	[dreg:$0x2] =	wrdreg s3  }
0x30: {  	[dreg:$0x3] =	wrdreg s5  }
0x31: {  	[dreg:$0x4] =	wrdreg $0xC0  }
0x32: {  	_ =	task [dreg:s23], $0x5FFFF  }
0x33: {  	[dreg:$0x1] =	wrdreg $0xFFFFFFFF  }
0x34: {  	[dreg:$0x0] =	wrdreg $0x60  }
0x35: {  	[dreg:$0x2] =	wrdreg s25  }
0x36: {  	[dreg:$0x3] =	wrdreg $0x9  }
0x37: {  	_ =	task.clear_ibuf [dreg:s23], $0x4FFFF;
	_ =	strace $0x90000049  }
0x38: {  	s29 =	simm.s32 $0x9;
	_ =	strace $0x8000004B  }
0x39: {  	_ =	swait.ge [sflag:s29], $0x1  }
0x3a: {  	[sflag:s29] =	ssyncadd.s32 $0xFFFFFFFF  }
0x3b: {  	_ =	strace $0x9000004B  }
0x3c: {  	_ =	sfence  }
0x3d: {  	s30 =	sld [smem:$0x0];
	_ =	sdelay $0x2  }
0x3e: {  	s31 =	sshll.u32 s1, $0xD;
	s1 =	sshrl.u32 s1, $0x2  }
0x3f: {  	s4 =	sand.u32 $0x4000, s31;
	s1 =	sadd.s32 s1, s30  }
0x40: {  	s0 =	sor.u32 s4, s0;
	s1 =	sshll.u32 s1, $0x11  }
0x41: {  	s0 =	sor.u32 s1, s0  }
0x42: {  	s0 =	sadd.s32 $0x8F2B, s0  }
0x43: {  	[sflag:s0] =	ssyncadd.remote.s32 $0x1  }
0x44: {  	_ =	sfence.sel $0xFFFF  }
0x45: {  	[dreg:$0x0] =	wrdreg $0xFFFFFFFF;
	(pc) =	sbr.abs _section_cstart, $3  }
0x46: {  	[dreg:$0x1] =	wrdreg $0xFFFFFFFF  }
0x47: {  	_ =	task.clear_ibuf [dreg:s23], $0x2FFFF;
	_ =	strace $0x9FFFFFFF  }
0x48: {  	(tm) =	ssettm $0x7FFFFFFF  }
0x49: {  	_ =	shalt  }
tec
execute0_lowered:
.L_overlay_start_1:
0x0: {  	(tag) =	ssettag $0x1  }
0x1: {  	s4 =	rddreg [dreg:$0x0]  }
0x2: {  	s0 =	rddreg [dreg:$0x1];
	s2 =	srdreg.scid  }
0x3: {  	_ =	strace $0x8000004A;
	s1 =	stileid.u32;
	s9 =	simm.s32 $0x2  }
0x4: {  	s17 =	simm.s32 $0x0;
	p0 =	por $0x0, $0x0;
	s14 =	simm.s32 $0x0  }
0x5: {  	s15 =	simm.s32 $0x0;
	s16 =	simm.s32 $0x0;
	s10 =	simm.s32 $0x0  }
0x6: {  	s13 =	simm.s32 $0x0;
	s3 =	sshll.u32 s2, $0x4;
	s2 =	sadd.s32 $0x100000, s4  }
0x7: {  	s4 =	sadd.s32 $0x200000, s4;
	s5 =	sand.u32 $0x10, s3;
	s3 =	sand.u32 $0x1, s1  }
.Ltmp0:
0x8: {  	s6 =	sor.u32 s1, s5;
	s7 =	ssub.s32 $0x2, s3;
	(pc) =	sbr.rel .LBB1_1-.Ltmp0, $4  }
0x9: {  	s5 =	simm.s32 $0x1;
	s8 =	sshrl.u32 s7, $0x1;
	s7 =	sand.u32 $0x1, s7  }
0xa: {  	s12 =	smov.u32 s3;
	[sflag:s5] =	ssyncpa.u1 $0x0;
	s7 =	sadd.s32 s7, s8  }
0xb: {  	s6 =	sshrl.u32 s6, $0x1;
	[sflag:s9] =	ssyncpa.u1 $0x0;
	s7 =	sshll.u32 s7, $0x4  }
0xc: {  	s9 =	simm.s32 $0x0;
	s11 =	smov.u32 s6;
	s8 =	sor.u32 $0x1, s7  }
.LBB1_4:
0xd: {  	v5 =	vld [tilespmem:s20+$0xFFFFFFD0];
	[tilespmem:s21+$0x2040 ss:$0x81] =	vst.msk $0xffff, v1  }
0xe: {  	v58 =	vld [tilespmem:s20+$0xFFFFFFE0];
	[tilespmem:s21+$0x2850 ss:$0x81] =	vst.msk $0xffff, v2  }
0xf: {  	s22 =	sshra.s32 s22, $0x2;
	v59 =	vld [tilespmem:s20+$0xFFFFFFF0];
	[tilespmem:s21+$0x3060 ss:$0x81] =	vst.msk $0xffff, v3  }
0x10: {  	v60 =	vld [tilespmem:s20+$0x0];
	[tilespmem:s21+$0x0 ss:$0x81] =	vst.msk $0xffff, v0;
	s19 =	sadd.s32 s22, s19  }
0x11: {  	v61 =	vld [tilespmem:s20+$0x10];
	[tilespmem:s19+$0x3870 ss:$0x81] =	vst.msk $0xffff, v4  }
0x12: {  	s17 =	sshll.u32 s17, $0x7;
	s26 =	sshll.u32 s14, $0x3;
	v62 =	vld [tilespmem:s20+$0x20];
	[tilespmem:s19+$0x810 ss:$0x81] =	vst.msk $0xffff, v5  }
0x13: {  	v63 =	vld [tilespmem:s20+$0xFFFFFFC0];
	s16 =	sshll.u32 s16, $0x13;
	s27 =	sand.u32 $0x3FC00, s17;
	s21 =	sand.u32 $0x3FC00, s26;
	[tilespmem:s19+$0x1020 ss:$0x81] =	vst.msk $0xffff, v58  }
0x14: {  	s15 =	sshll.u32 s15, $0xF;
	s17 =	sand.u32 $0x380, s17;
	s28 =	sadd.s32 s21, s27;
	[tilespmem:s19+$0x1830 ss:$0x81] =	vst.msk $0xffff, v59  }
0x15: {  	s29 =	sshrl.u32 s14, $0x3;
	s16 =	sadd.s32 s4, s16;
	s17 =	sor.u32 s17, s28;
	[tilespmem:s19+$0x2040 ss:$0x81] =	vst.msk $0xffff, v60  }
0x16: {  	s20 =	sand.u32 $0xF, s29;
	s15 =	sadd.s32 s15, s16;
	s17 =	sshrl.u32 s17, $0x3;
	[tilespmem:s19+$0x2850 ss:$0x81] =	vst.msk $0xffff, v61  }
0x17: {  	s15 =	sadd.s32 s20, s15;
	[tilespmem:s19+$0x3060 ss:$0x81] =	vst.msk $0xffff, v62;
	s30 =	sand.u32 $0x7FF0, s17  }
0x18: {  	s31 =	sand.u32 $0x7, s14;
	[tilespmem:s19+$0x0 ss:$0x81] =	vst.msk $0xffff, v63;
	s15 =	sadd.s32 s30, s15  }
0x19: {  	[hbm4b:s15+s31] =	stream.linear.scatter [tilespmem:s18], [sflag:$0x2], $0x4000, $0x20;
	[tilespmem:$0x10100] =	vst v63  }
.LBB1_5:
0x1a: {  	s18 =	sadd.s32 $0x80, s9  }
0x1b: {  	s14 =	sadd.s32 $0x80, s10;
	s19 =	smov.u32 s10;
	p2 =	sgt.s32 s18, $0x7FF  }
0x1c: {  	s19 =	smov.u32 @p2 s14  }
0x1d: {  	s20 =	smov.u32 s11;
	s14 =	sadd.s32 $0x10, s11;
	p3 =	sgt.s32 s19, $0x7F  }
0x1e: {  	s20 =	smov.u32 @p3 s14  }
0x1f: {  	s21 =	smov.u32 s12;
	s14 =	sadd.s32 $0x2, s12;
	p4 =	sgt.s32 s20, $0xF  }
0x20: {  	p1 =	slt.u32 s13, $0x2;
	s21 =	smov.u32 @p4 s14  }
0x21: {  	s17 =	smov.u32 s9;
	s18 =	simm.s32 @p2 $0x0;
	p2 =	sgt.s32 s21, $0x1  }
0x22: {  	s22 =	simm.s32 @!p1 $0x2;
	s21 =	smov.u32 @p2 s3;
	p2 =	sne.s32 s13, s8  }
.Ltmp1:
0x23: {  	s15 =	smov.u32 s11;
	_ =	swait.ge @!p1 [sflag:s22], $0x4000;
	(pc) =	sbr.rel @!p2 .LBB1_6-.Ltmp1, $4  }
0x24: {  	s16 =	smov.u32 s12;
	p0 =	por !p0, !p0;
	[sflag:s22] =	ssyncset.done @!p1 $0x0  }
0x25: {  	s9 =	smov.u32 s18;
	s19 =	simm.s32 @p3 $0x0;
	[sflag:s22] =	ssyncadd.s32 @!p1 $0xFFFFC000  }
0x26: {  	s20 =	smov.u32 @p4 s6;
	s14 =	smov.u32 s10;
	s10 =	smov.u32 s19  }
0x27: {  	s11 =	smov.u32 s20;
	s13 =	sadd.s32 $0x1, s13;
	s12 =	smov.u32 s21  }
.LBB1_1:
0x28: {  	p1 =	sge.u32 s13, s7  }
0x29: {  	s31 =	sadd.s32 $0xFFFFFFFF, s13;
	s18 =	sxor.u32 @!p1 $0xFFFFFFFF, s13;
	s19 =	sand.u32 @!p1 $0x78, s9  }
0x2a: {  	s20 =	sshll.u32 @!p1 s10, $0x7;
	s21 =	sshll.u32 @!p1 s10, $0xB;
	s22 =	sshll.u32 @!p1 s9, $0x3  }
0x2b: {  	s18 =	sshll.u32 @!p1 s18, $0xE;
	s20 =	sand.u32 @!p1 $0x380, s20;
	s21 =	sand.u32 @!p1 $0x3C000, s21  }
0x2c: {  	s18 =	sand.u32 @!p1 $0x4000, s18;
	s19 =	sor.u32 @!p1 s20, s19;
	s20 =	sand.u32 @!p1 $0x400, s22  }
0x2d: {  	s21 =	sadd.s32 @!p1 s21, s22;
	s19 =	sor.u32 @!p1 s20, s19;
	s20 =	sshll.u32 @!p1 s12, $0x13  }
0x2e: {  	s22 =	sshll.u32 @!p1 s11, $0xF;
	s21 =	sshrl.u32 @!p1 s21, $0x3;
	s20 =	sadd.s32 @!p1 s2, s20  }
0x2f: {  	s21 =	sand.u32 @!p1 $0x7F00, s21;
	s20 =	sadd.s32 @!p1 s22, s20;
	s22 =	sand.u32 @!p1 $0x7, s9  }
0x30: {  	s19 =	sshrl.u32 @!p1 s19, $0x3;
	s20 =	sadd.s32 @!p1 s21, s20;
	s21 =	sshll.u32 @!p1 s22, $0x12  }
0x31: {  	s19 =	sadd.s32 @!p1 s19, s20;
	s20 =	sor.u32 @!p1 $0x400, s21;
	s21 =	simm.s32 @!p1 $0x4000  }
0x32: {  	[tilespmem:s18], [sflag:$0x1] =	stream.strided.gather @!p1 [hbm4b:s19+s20], $0x4000, s21, s20, $0x38;
	[tilespmem:$0x10100] =	vst v63  }
0x33: {  	p1 =	sge.u32 s31, s7  }
.Ltmp2:
0x34: {  	_ = 	snop;
	(pc) =	sbr.rel @p1 .LBB1_5-.Ltmp2, $1  }
0x35: {  	_ =	sdelay $0x3  }
0x36: {  	s18 =	simm.s32 $0x1  }
0x37: {  	_ =	swait.ge [sflag:s5], $0x4000;
	s18 =	simm.s32 @!p0 $0x0  }
0x38: {  	[sflag:s5] =	ssyncset.done $0x0;
	s19 =	sshll.u32 s18, $0xE  }
0x39: {  	[sflag:s5] =	ssyncadd.s32 $0xFFFFC000;
	s20 =	sor.u32 $0x40, s19  }
0x3a: {  	s18 =	smul.u32 $0x10200, s18;
	v0 =	vld [tilespmem:s20+$0x30]  }
0x3b: {  	v3 =	vld [tilespmem:s20+$0xFFFFFFD0]  }
0x3c: {  	s18 =	sshrl.u32 s18, $0x2;
	v4 =	vld [tilespmem:s20+$0xFFFFFFE0]  }
0x3d: {  	v5 =	vld [tilespmem:s20+$0xFFFFFFF0];
	s19 =	sor.u32 $0x8000, s18  }
0x3e: {  	s31 =	sand.u32 $0x1, s13;
	v1 =	vld [tilespmem:s20+$0x0];
	s21 =	sadd.s32 $0x0, s19  }
0x3f: {  	v2 =	vld [tilespmem:s20+$0x10];
	s18 =	smul.u32 $0x10200, s31;
	[tilespmem:s21+$0x3870 ss:$0x81] =	vst.msk $0xffff, v0  }
0x40: {  	[tilespmem:s21+$0x810 ss:$0x81] =	vst.msk $0xffff, v3;
	v3 =	vld [tilespmem:s20+$0x20]  }
0x41: {  	s18 =	sshrl.u32 s18, $0x2;
	v0 =	vld [tilespmem:s20+$0xFFFFFFC0];
	[tilespmem:s21+$0x1020 ss:$0x81] =	vst.msk $0xffff, v4;
	s20 =	sadd.s32 $0x80, s20  }
0x42: {  	s22 =	simm.s32 $0x4;
	s23 =	simm.s32 $0x8;
	s18 =	sor.u32 $0x8000, s18;
	[tilespmem:s21+$0x1830 ss:$0x81] =	vst.msk $0xffff, v5;
	v4 =	vld [tilespmem:s20+$0x30]  }
.LBB1_3:
0x43: {  	p1 =	sne.s32 s23, $0x1FC;
	v5 =	vld [tilespmem:s20+$0xFFFFFFD0];
	[tilespmem:s21+$0x2040 ss:$0x81] =	vst.msk $0xffff, v1  }
0x44: {  	v6 =	vld [tilespmem:s20+$0xFFFFFFE0];
	[tilespmem:s21+$0x2850 ss:$0x81] =	vst.msk $0xffff, v2  }
0x45: {  	s24 =	sshra.s32 s22, $0x2;
	s22 =	smov.u32 s23;
	v7 =	vld [tilespmem:s20+$0xFFFFFFF0];
	[tilespmem:s21+$0x3060 ss:$0x81] =	vst.msk $0xffff, v3  }
.Ltmp3:
0x46: {  	v1 =	vld [tilespmem:s20+$0x0];
	[tilespmem:s21+$0x0 ss:$0x81] =	vst.msk $0xffff, v0;
	s21 =	sadd.s32 s24, s19;
	(pc) =	sbr.rel @p1 .LBB1_3-.Ltmp3, $4  }
0x47: {  	v2 =	vld [tilespmem:s20+$0x10];
	[tilespmem:s21+$0x3870 ss:$0x81] =	vst.msk $0xffff, v4  }
0x48: {  	[tilespmem:s21+$0x810 ss:$0x81] =	vst.msk $0xffff, v5;
	v3 =	vld [tilespmem:s20+$0x20]  }
0x49: {  	v0 =	vld [tilespmem:s20+$0xFFFFFFC0];
	[tilespmem:s21+$0x1020 ss:$0x81] =	vst.msk $0xffff, v6;
	s20 =	sadd.s32 $0x80, s20  }
0x4a: {  	s23 =	sadd.s32 $0x4, s23;
	v4 =	vld [tilespmem:s20+$0x30];
	[tilespmem:s21+$0x1830 ss:$0x81] =	vst.msk $0xffff, v7  }
.Ltmp4:
0x4b: {  	_ = 	snop;
	(pc) =	sbr.rel .LBB1_4-.Ltmp4, $1  }
0x4c: {  	_ =	sdelay $0x3  }
.LBB1_6:
0x4d: {  	_ =	sfence.sel $0x180000  }
0x4e: {  	s2 =	simm.s32 $0x1;
	[bflag:$0x0] =	sbarrier.arrive $0xFFFF  }
0x4f: {  	s31 =	simm.s32 $0x2;
	[sflag:s2] =	ssyncpa.u1 $0x1  }
0x50: {  	[sflag:s31] =	ssyncpa.u1 $0x1  }
0x51: {  	p0 =	sne.s32 s1, $0x0;
	_ =	strace $0x9000004A  }
0x52: {  	s0 =	sadd.s32 @!p0 $0x100000, s0;
	[bflag:$0x2] =	sbarrier.arrive $0xFFFF  }
0x53: {  	[sflag:s0] =	ssyncadd.tile.s32 @!p0 $0x1;
	_ =	shalt  }
.Lfunc_end1:
_tile_overlayer_lowered:
.L_overlay_start_2:
0x54: {  	(tag) =	ssettag $0x2  }
0x55: {  	s0 =	rddreg [dreg:$0x0];
	s2 =	stileid.u32  }
0x56: {  	s1 =	rddreg [dreg:$0x1];
	p0 =	sne.s32 s2, $0x0  }
0x57: {  	s3 =	rddreg [dreg:$0x2];
	[bflag:$0x3] =	sbarrier.arrive $0xFFFF;
	s2 =	simm.s32 @!p0 $0x1C01  }
0x58: {  	[timem:s3], [sflag:s2] =	dma.local @!p0 [hbm:s0], s1  }
0x59: {  	s0 =	simm.s32 @!p0 $0x1  }
0x5a: {  	_ =	swait.ge @!p0 [sflag:s0], s1  }
0x5b: {  	s1 =	ssub.s32 @!p0 $0x0, s1;
	[sflag:s0] =	ssyncset.done @!p0 $0x0  }
0x5c: {  	[sflag:s0] =	ssyncadd.s32 @!p0 s1  }
0x5d: {  	[bflag:$0x3] =	sbarrier.arrive $0xFFFF  }
0x5e: {  	_ =	shalt  }

</sc_bundles>
